<compile_context>
chip_gen: v7x
topology: tpu7x:2x2x1
jax: 0.10.2.dev20260603
libtpu: 0.0.44.dev20260713+nightly
codegen_flags: <defaults>
</compile_context>

<pallas_src>
import jax
import jax.numpy as jnp
from jax import lax
from jax.experimental import pallas as pl
from jax.experimental.pallas import tpu as pltpu
from jax.experimental.pallas import tpu_sc as plsc

_BATCH = 4096
_HIST = 200
_D = 64
_DP = 128
_NC = 2
_NS = 16
_NW = _NC * _NS
_BW = _BATCH // _NW
_NBUF = 5
_G = _HIST


def _body(xt_hbm, table_hbm, out_hbm, idx_v, rows, gsems, wsems):
    wid = lax.axis_index("s") * _NC + lax.axis_index("c")
    b0 = wid * _BW
    pltpu.sync_copy(xt_hbm.at[:, pl.ds(b0, _BW)], idx_v)

    def _gather_start(g, b):
        pltpu.async_copy(table_hbm.at[idx_v.at[g]], rows[b], gsems[b])

    for b in range(_NBUF):
        _gather_start(b, b)

    @pl.loop(0, _G, step=_NBUF)
    def _outer(g0):
        for b in range(_NBUF):
            g = g0 + b
            pltpu.make_async_copy(
                table_hbm.at[idx_v.at[g]], rows[b], gsems[b]
            ).wait()
            pltpu.async_copy(
                rows[b], out_hbm.at[pl.ds(b0, _BW), g, :], wsems[b]
            )
            @pl.when(g + _NBUF < _G)
            def _():
                pltpu.make_async_copy(
                    rows[b], out_hbm.at[pl.ds(b0, _BW), g, :], wsems[b]
                ).wait()
                _gather_start(g + _NBUF, b)

    for b in range(_NBUF):
        g_last = _G - _NBUF + b
        pltpu.make_async_copy(
            rows[b], out_hbm.at[pl.ds(b0, _BW), g_last, :], wsems[b]
        ).wait()


@jax.jit
def _lookup(xt, table_pad):
    mesh = plsc.VectorSubcoreMesh(core_axis_name="c", subcore_axis_name="s")
    return pl.kernel(
        _body,
        out_type=jax.ShapeDtypeStruct((_BATCH, _HIST, _DP), jnp.float32),
        mesh=mesh,
        scratch_types=[
            pltpu.VMEM((_HIST, _BW), jnp.int32),
            [pltpu.VMEM((_BW, _DP), jnp.float32) for _ in range(_NBUF)],
            [pltpu.SemaphoreType.DMA for _ in range(_NBUF)],
            [pltpu.SemaphoreType.DMA for _ in range(_NBUF)],
        ],
        compiler_params=pltpu.CompilerParams(use_tc_tiling_on_sc=True),
    )(xt, table_pad)


def kernel(x, table):
    table_pad = jnp.pad(table.T, ((0, _DP - _D), (0, 0))).T
    out = _lookup(x.T, table_pad)
    return out[:, :, :_D]

# --- scband reference (transcript-rebuilt; emitter-appended) ---
"""Pipeline reference for scband-embedder-70377334112914 (READ-ONLY COPY).

The authoritative reference and input builder live on the scoring server;
editing this copy changes nothing except your own understanding.
"""

import jax, jax.numpy as jnp
import numpy as np

VOCAB_SIZE = 1000000
D_MODEL = 64
BATCH = 4096
HIST_LEN = 200


def setup_inputs(seed: int = 0) -> dict:
    key = jax.random.key(seed)
    k_idx, k_tab = jax.random.split(key)
    x = jax.random.randint(k_idx, (BATCH, HIST_LEN), 0, VOCAB_SIZE, dtype=jnp.int64 if jax.config.jax_enable_x64 else jnp.int32)
    # nn.Embedding default init: N(0, 1)
    table = jax.random.normal(k_tab, (VOCAB_SIZE, D_MODEL), dtype=jnp.float32)
    return {"x": x, "table": table}


def reference(x, table):
    # Faithful translation of Embedder.forward: nn.Embedding lookup
    return jnp.take(table, x, axis=0)

if __name__ == "__main__":
    import jax
    _d = setup_inputs()
    print(jax.jit(kernel)(*tuple(_d.values())))

</pallas_src>

<mosaic_0001>
#map = affine_map<(d0, d1) -> (0, 0)>
#map1 = affine_map<(d0, d1) -> (0, 0, 0)>
module attributes {stable_mosaic.version = 14 : i64} {
  func.func @_body(%arg0: i32, %arg1: i32, %arg2: memref<200x4096xi32, #tpu.memory_space<hbm>>, %arg3: memref<1000000x128xf32, #tpu.memory_space<hbm>>, %arg4: memref<4096x200x128xf32, #tpu.memory_space<hbm>>, %arg5: memref<200x128xi32, #tpu.memory_space<vmem>>, %arg6: memref<128x128xf32, #tpu.memory_space<vmem>>, %arg7: memref<128x128xf32, #tpu.memory_space<vmem>>, %arg8: memref<128x128xf32, #tpu.memory_space<vmem>>, %arg9: memref<128x128xf32, #tpu.memory_space<vmem>>, %arg10: memref<128x128xf32, #tpu.memory_space<vmem>>, %arg11: memref<!tpu.dma_semaphore, #tpu.memory_space<semaphore_mem>>, %arg12: memref<!tpu.dma_semaphore, #tpu.memory_space<semaphore_mem>>, %arg13: memref<!tpu.dma_semaphore, #tpu.memory_space<semaphore_mem>>, %arg14: memref<!tpu.dma_semaphore, #tpu.memory_space<semaphore_mem>>, %arg15: memref<!tpu.dma_semaphore, #tpu.memory_space<semaphore_mem>>, %arg16: memref<!tpu.dma_semaphore, #tpu.memory_space<semaphore_mem>>, %arg17: memref<!tpu.dma_semaphore, #tpu.memory_space<semaphore_mem>>, %arg18: memref<!tpu.dma_semaphore, #tpu.memory_space<semaphore_mem>>, %arg19: memref<!tpu.dma_semaphore, #tpu.memory_space<semaphore_mem>>, %arg20: memref<!tpu.dma_semaphore, #tpu.memory_space<semaphore_mem>>) attributes {dimension_semantics = [#tpu.dimension_semantics<core_parallel>, #tpu.dimension_semantics<subcore_parallel>], iteration_bounds = array<i64: 2, 16>, scalar_prefetch = 0 : i64, scratch_operands = 16 : i64, tpu.core_type = #tpu.core_type<sc_vector_subcore>, window_params = [{transform_indices = #map}, {transform_indices = #map}, {transform_indices = #map1}]} {
    %mul3A = arith.constant 2 : i32
    %mul3A_0 = arith.muli %arg1, %mul3A : i32
    %add3A = arith.addi %mul3A_0, %arg0 : i32
    %mul3A_1 = arith.constant 128 : i32
    %mul3A_2 = arith.muli %add3A, %mul3A_1 : i32
    "tpu.region"() ({
      %run_scoped3A = tpu.sem_alloc : memref<!tpu.dma_semaphore, #tpu.memory_space<semaphore_mem>>
      %dma_start3A_75 = arith.constant 0 : i32
      %dma_start3A_76 = tpu.memref_slice %arg2[%dma_start3A_75, %mul3A_2] : memref<200x4096xi32, #tpu.memory_space<hbm>> -> memref<200x128xi32, #tpu.memory_space<hbm>>
      %dma_start3A_77 = arith.constant 0 : i32
      %dma_start3A_78 = tpu.memref_slice %arg2[%dma_start3A_77, %mul3A_2] : memref<200x4096xi32, #tpu.memory_space<hbm>> -> memref<200x128xi32, #tpu.memory_space<hbm>>
      tpu.enqueue_dma source(%dma_start3A_78 : memref<200x128xi32, #tpu.memory_space<hbm>>) target(%arg5 : memref<200x128xi32, #tpu.memory_space<vmem>>) target_semaphore(%run_scoped3A : memref<!tpu.dma_semaphore, #tpu.memory_space<semaphore_mem>>)
      %dma_wait3A_79 = arith.constant 0 : i32
      %dma_wait3A_80 = tpu.memref_slice %arg2[%dma_wait3A_79, %mul3A_2] : memref<200x4096xi32, #tpu.memory_space<hbm>> -> memref<200x128xi32, #tpu.memory_space<hbm>>
      %dma_wait3A_81 = arith.constant 0 : i32
      %dma_wait3A_82 = tpu.memref_slice %arg2[%dma_wait3A_81, %mul3A_2] : memref<200x4096xi32, #tpu.memory_space<hbm>> -> memref<200x128xi32, #tpu.memory_space<hbm>>
      tpu.wait_dma2 semaphore(%run_scoped3A : memref<!tpu.dma_semaphore, #tpu.memory_space<semaphore_mem>>) src(%dma_wait3A_82 : memref<200x128xi32, #tpu.memory_space<hbm>>) dst(%arg5 : memref<200x128xi32, #tpu.memory_space<vmem>>)
      tpu.yield
    }) : () -> ()
    %dma_start3A = arith.constant 0 : i32
    %dma_start3A_3 = arith.constant 0 : i32
    %dma_start3A_4 = tpu.memref_slice %arg5[%dma_start3A, %dma_start3A_3] : memref<200x128xi32, #tpu.memory_space<vmem>> -> memref<1x128xi32, #tpu.memory_space<vmem>>
    %dma_start3A_5 = tpu.memref_squeeze %dma_start3A_4 : memref<1x128xi32, #tpu.memory_space<vmem>> -> memref<128xi32, #tpu.memory_space<vmem>>
    %dma_start3A_6 = arith.constant 0 : i32
    %dma_start3A_7 = arith.constant 0 : i32
    %dma_start3A_8 = tpu.memref_slice %arg3[%dma_start3A_6, %dma_start3A_7] : memref<1000000x128xf32, #tpu.memory_space<hbm>> -> memref<1000000x128xf32, #tpu.memory_space<hbm>>
    tpu.enqueue_indirect_dma source(%dma_start3A_8 : memref<1000000x128xf32, #tpu.memory_space<hbm>>) target(%arg6 : memref<128x128xf32, #tpu.memory_space<vmem>>) offsets(%dma_start3A_5 : memref<128xi32, #tpu.memory_space<vmem>>) semaphore(%arg11 : memref<!tpu.dma_semaphore, #tpu.memory_space<semaphore_mem>>)
    %dma_start3A_9 = arith.constant 1 : i32
    %dma_start3A_10 = arith.constant 0 : i32
    %dma_start3A_11 = tpu.memref_slice %arg5[%dma_start3A_9, %dma_start3A_10] : memref<200x128xi32, #tpu.memory_space<vmem>> -> memref<1x128xi32, #tpu.memory_space<vmem>>
    %dma_start3A_12 = tpu.memref_squeeze %dma_start3A_11 : memref<1x128xi32, #tpu.memory_space<vmem>> -> memref<128xi32, #tpu.memory_space<vmem>>
    %dma_start3A_13 = arith.constant 0 : i32
    %dma_start3A_14 = arith.constant 0 : i32
    %dma_start3A_15 = tpu.memref_slice %arg3[%dma_start3A_13, %dma_start3A_14] : memref<1000000x128xf32, #tpu.memory_space<hbm>> -> memref<1000000x128xf32, #tpu.memory_space<hbm>>
    tpu.enqueue_indirect_dma source(%dma_start3A_15 : memref<1000000x128xf32, #tpu.memory_space<hbm>>) target(%arg7 : memref<128x128xf32, #tpu.memory_space<vmem>>) offsets(%dma_start3A_12 : memref<128xi32, #tpu.memory_space<vmem>>) semaphore(%arg12 : memref<!tpu.dma_semaphore, #tpu.memory_space<semaphore_mem>>)
    %dma_start3A_16 = arith.constant 2 : i32
    %dma_start3A_17 = arith.constant 0 : i32
    %dma_start3A_18 = tpu.memref_slice %arg5[%dma_start3A_16, %dma_start3A_17] : memref<200x128xi32, #tpu.memory_space<vmem>> -> memref<1x128xi32, #tpu.memory_space<vmem>>
    %dma_start3A_19 = tpu.memref_squeeze %dma_start3A_18 : memref<1x128xi32, #tpu.memory_space<vmem>> -> memref<128xi32, #tpu.memory_space<vmem>>
    %dma_start3A_20 = arith.constant 0 : i32
    %dma_start3A_21 = arith.constant 0 : i32
    %dma_start3A_22 = tpu.memref_slice %arg3[%dma_start3A_20, %dma_start3A_21] : memref<1000000x128xf32, #tpu.memory_space<hbm>> -> memref<1000000x128xf32, #tpu.memory_space<hbm>>
    tpu.enqueue_indirect_dma source(%dma_start3A_22 : memref<1000000x128xf32, #tpu.memory_space<hbm>>) target(%arg8 : memref<128x128xf32, #tpu.memory_space<vmem>>) offsets(%dma_start3A_19 : memref<128xi32, #tpu.memory_space<vmem>>) semaphore(%arg13 : memref<!tpu.dma_semaphore, #tpu.memory_space<semaphore_mem>>)
    %dma_start3A_23 = arith.constant 3 : i32
    %dma_start3A_24 = arith.constant 0 : i32
    %dma_start3A_25 = tpu.memref_slice %arg5[%dma_start3A_23, %dma_start3A_24] : memref<200x128xi32, #tpu.memory_space<vmem>> -> memref<1x128xi32, #tpu.memory_space<vmem>>
    %dma_start3A_26 = tpu.memref_squeeze %dma_start3A_25 : memref<1x128xi32, #tpu.memory_space<vmem>> -> memref<128xi32, #tpu.memory_space<vmem>>
    %dma_start3A_27 = arith.constant 0 : i32
    %dma_start3A_28 = arith.constant 0 : i32
    %dma_start3A_29 = tpu.memref_slice %arg3[%dma_start3A_27, %dma_start3A_28] : memref<1000000x128xf32, #tpu.memory_space<hbm>> -> memref<1000000x128xf32, #tpu.memory_space<hbm>>
    tpu.enqueue_indirect_dma source(%dma_start3A_29 : memref<1000000x128xf32, #tpu.memory_space<hbm>>) target(%arg9 : memref<128x128xf32, #tpu.memory_space<vmem>>) offsets(%dma_start3A_26 : memref<128xi32, #tpu.memory_space<vmem>>) semaphore(%arg14 : memref<!tpu.dma_semaphore, #tpu.memory_space<semaphore_mem>>)
    %dma_start3A_30 = arith.constant 4 : i32
    %dma_start3A_31 = arith.constant 0 : i32
    %dma_start3A_32 = tpu.memref_slice %arg5[%dma_start3A_30, %dma_start3A_31] : memref<200x128xi32, #tpu.memory_space<vmem>> -> memref<1x128xi32, #tpu.memory_space<vmem>>
    %dma_start3A_33 = tpu.memref_squeeze %dma_start3A_32 : memref<1x128xi32, #tpu.memory_space<vmem>> -> memref<128xi32, #tpu.memory_space<vmem>>
    %dma_start3A_34 = arith.constant 0 : i32
    %dma_start3A_35 = arith.constant 0 : i32
    %dma_start3A_36 = tpu.memref_slice %arg3[%dma_start3A_34, %dma_start3A_35] : memref<1000000x128xf32, #tpu.memory_space<hbm>> -> memref<1000000x128xf32, #tpu.memory_space<hbm>>
    tpu.enqueue_indirect_dma source(%dma_start3A_36 : memref<1000000x128xf32, #tpu.memory_space<hbm>>) target(%arg10 : memref<128x128xf32, #tpu.memory_space<vmem>>) offsets(%dma_start3A_33 : memref<128xi32, #tpu.memory_space<vmem>>) semaphore(%arg15 : memref<!tpu.dma_semaphore, #tpu.memory_space<semaphore_mem>>)
    %scan3A = arith.constant 0 : i32
    %scan3A_37 = arith.constant 40 : i32
    %scan3A_38 = arith.addi %scan3A, %scan3A_37 : i32
    %scan3A_39 = arith.constant 1 : i32
    scf.for %scan3A_75 = %scan3A to %scan3A_38 step %scan3A_39  : i32 {
      %mul3A_76 = arith.constant 5 : i32
      %mul3A_77 = arith.muli %scan3A_75, %mul3A_76 : i32
      %add3A_78 = arith.constant 0 : i32
      %add3A_79 = arith.addi %add3A_78, %mul3A_77 : i32
      %add3A_80 = arith.constant 0 : i32
      %add3A_81 = arith.addi %add3A_79, %add3A_80 : i32
      %dma_wait3A_82 = arith.constant 0 : i32
      %dma_wait3A_83 = tpu.memref_slice %arg5[%add3A_81, %dma_wait3A_82] : memref<200x128xi32, #tpu.memory_space<vmem>> -> memref<1x128xi32, #tpu.memory_space<vmem>>
      %dma_wait3A_84 = tpu.memref_squeeze %dma_wait3A_83 : memref<1x128xi32, #tpu.memory_space<vmem>> -> memref<128xi32, #tpu.memory_space<vmem>>
      %dma_wait3A_85 = arith.constant 0 : i32
      %dma_wait3A_86 = arith.constant 0 : i32
      %dma_wait3A_87 = tpu.memref_slice %arg3[%dma_wait3A_85, %dma_wait3A_86] : memref<1000000x128xf32, #tpu.memory_space<hbm>> -> memref<1000000x128xf32, #tpu.memory_space<hbm>>
      tpu.wait_indirect_dma semaphore(%arg11 : memref<!tpu.dma_semaphore, #tpu.memory_space<semaphore_mem>>) src(%dma_wait3A_87 : memref<1000000x128xf32, #tpu.memory_space<hbm>>) dst(%arg6 : memref<128x128xf32, #tpu.memory_space<vmem>>)
      %dma_start3A_88 = arith.constant 0 : i32
      %dma_start3A_89 = tpu.memref_slice %arg4[%mul3A_2, %add3A_81, %dma_start3A_88] : memref<4096x200x128xf32, #tpu.memory_space<hbm>> -> memref<128x1x128xf32, #tpu.memory_space<hbm>>
      %dma_start3A_90 = tpu.memref_squeeze %dma_start3A_89 : memref<128x1x128xf32, #tpu.memory_space<hbm>> -> memref<128x128xf32, #tpu.memory_space<hbm>>
      %dma_start3A_91 = arith.constant 0 : i32
      %dma_start3A_92 = tpu.memref_slice %arg4[%mul3A_2, %add3A_81, %dma_start3A_91] : memref<4096x200x128xf32, #tpu.memory_space<hbm>> -> memref<128x1x128xf32, #tpu.memory_space<hbm>>
      %dma_start3A_93 = tpu.memref_squeeze %dma_start3A_92 : memref<128x1x128xf32, #tpu.memory_space<hbm>> -> memref<128x128xf32, #tpu.memory_space<hbm>>
      tpu.enqueue_dma source(%arg6 : memref<128x128xf32, #tpu.memory_space<vmem>>) target(%dma_start3A_93 : memref<128x128xf32, #tpu.memory_space<hbm>>) target_semaphore(%arg16 : memref<!tpu.dma_semaphore, #tpu.memory_space<semaphore_mem>>)
      %add3A_94 = arith.constant 5 : i32
      %add3A_95 = arith.addi %add3A_81, %add3A_94 : i32
      %lt3A = arith.constant 200 : i32
      %lt3A_96 = arith.cmpi slt, %add3A_95, %lt3A : i32
      %convert_element_type3A = arith.extui %lt3A_96 : i1 to i32
      %cond3A = arith.constant 0 : i32
      %cond3A_97 = arith.cmpi ne, %convert_element_type3A, %cond3A : i32
      scf.if %cond3A_97 {
        %dma_wait3A_182 = arith.constant 0 : i32
        %dma_wait3A_183 = tpu.memref_slice %arg4[%mul3A_2, %add3A_81, %dma_wait3A_182] : memref<4096x200x128xf32, #tpu.memory_space<hbm>> -> memref<128x1x128xf32, #tpu.memory_space<hbm>>
        %dma_wait3A_184 = tpu.memref_squeeze %dma_wait3A_183 : memref<128x1x128xf32, #tpu.memory_space<hbm>> -> memref<128x128xf32, #tpu.memory_space<hbm>>
        %dma_wait3A_185 = arith.constant 0 : i32
        %dma_wait3A_186 = tpu.memref_slice %arg4[%mul3A_2, %add3A_81, %dma_wait3A_185] : memref<4096x200x128xf32, #tpu.memory_space<hbm>> -> memref<128x1x128xf32, #tpu.memory_space<hbm>>
        %dma_wait3A_187 = tpu.memref_squeeze %dma_wait3A_186 : memref<128x1x128xf32, #tpu.memory_space<hbm>> -> memref<128x128xf32, #tpu.memory_space<hbm>>
        tpu.wait_dma2 semaphore(%arg16 : memref<!tpu.dma_semaphore, #tpu.memory_space<semaphore_mem>>) src(%arg6 : memref<128x128xf32, #tpu.memory_space<vmem>>) dst(%dma_wait3A_187 : memref<128x128xf32, #tpu.memory_space<hbm>>)
        %add3A_188 = arith.constant 5 : i32
        %add3A_189 = arith.addi %add3A_81, %add3A_188 : i32
        %dma_start3A_190 = arith.constant 0 : i32
        %dma_start3A_191 = tpu.memref_slice %arg5[%add3A_189, %dma_start3A_190] : memref<200x128xi32, #tpu.memory_space<vmem>> -> memref<1x128xi32, #tpu.memory_space<vmem>>
        %dma_start3A_192 = tpu.memref_squeeze %dma_start3A_191 : memref<1x128xi32, #tpu.memory_space<vmem>> -> memref<128xi32, #tpu.memory_space<vmem>>
        %dma_start3A_193 = arith.constant 0 : i32
        %dma_start3A_194 = arith.constant 0 : i32
        %dma_start3A_195 = tpu.memref_slice %arg3[%dma_start3A_193, %dma_start3A_194] : memref<1000000x128xf32, #tpu.memory_space<hbm>> -> memref<1000000x128xf32, #tpu.memory_space<hbm>>
        tpu.enqueue_indirect_dma source(%dma_start3A_195 : memref<1000000x128xf32, #tpu.memory_space<hbm>>) target(%arg6 : memref<128x128xf32, #tpu.memory_space<vmem>>) offsets(%dma_start3A_192 : memref<128xi32, #tpu.memory_space<vmem>>) semaphore(%arg11 : memref<!tpu.dma_semaphore, #tpu.memory_space<semaphore_mem>>)
      } else {
      }
      %add3A_98 = arith.constant 1 : i32
      %add3A_99 = arith.addi %add3A_79, %add3A_98 : i32
      %dma_wait3A_100 = arith.constant 0 : i32
      %dma_wait3A_101 = tpu.memref_slice %arg5[%add3A_99, %dma_wait3A_100] : memref<200x128xi32, #tpu.memory_space<vmem>> -> memref<1x128xi32, #tpu.memory_space<vmem>>
      %dma_wait3A_102 = tpu.memref_squeeze %dma_wait3A_101 : memref<1x128xi32, #tpu.memory_space<vmem>> -> memref<128xi32, #tpu.memory_space<vmem>>
      %dma_wait3A_103 = arith.constant 0 : i32
      %dma_wait3A_104 = arith.constant 0 : i32
      %dma_wait3A_105 = tpu.memref_slice %arg3[%dma_wait3A_103, %dma_wait3A_104] : memref<1000000x128xf32, #tpu.memory_space<hbm>> -> memref<1000000x128xf32, #tpu.memory_space<hbm>>
      tpu.wait_indirect_dma semaphore(%arg12 : memref<!tpu.dma_semaphore, #tpu.memory_space<semaphore_mem>>) src(%dma_wait3A_105 : memref<1000000x128xf32, #tpu.memory_space<hbm>>) dst(%arg7 : memref<128x128xf32, #tpu.memory_space<vmem>>)
      %dma_start3A_106 = arith.constant 0 : i32
      %dma_start3A_107 = tpu.memref_slice %arg4[%mul3A_2, %add3A_99, %dma_start3A_106] : memref<4096x200x128xf32, #tpu.memory_space<hbm>> -> memref<128x1x128xf32, #tpu.memory_space<hbm>>
      %dma_start3A_108 = tpu.memref_squeeze %dma_start3A_107 : memref<128x1x128xf32, #tpu.memory_space<hbm>> -> memref<128x128xf32, #tpu.memory_space<hbm>>
      %dma_start3A_109 = arith.constant 0 : i32
      %dma_start3A_110 = tpu.memref_slice %arg4[%mul3A_2, %add3A_99, %dma_start3A_109] : memref<4096x200x128xf32, #tpu.memory_space<hbm>> -> memref<128x1x128xf32, #tpu.memory_space<hbm>>
      %dma_start3A_111 = tpu.memref_squeeze %dma_start3A_110 : memref<128x1x128xf32, #tpu.memory_space<hbm>> -> memref<128x128xf32, #tpu.memory_space<hbm>>
      tpu.enqueue_dma source(%arg7 : memref<128x128xf32, #tpu.memory_space<vmem>>) target(%dma_start3A_111 : memref<128x128xf32, #tpu.memory_space<hbm>>) target_semaphore(%arg17 : memref<!tpu.dma_semaphore, #tpu.memory_space<semaphore_mem>>)
      %add3A_112 = arith.constant 5 : i32
      %add3A_113 = arith.addi %add3A_99, %add3A_112 : i32
      %lt3A_114 = arith.constant 200 : i32
      %lt3A_115 = arith.cmpi slt, %add3A_113, %lt3A_114 : i32
      %convert_element_type3A_116 = arith.extui %lt3A_115 : i1 to i32
      %cond3A_117 = arith.constant 0 : i32
      %cond3A_118 = arith.cmpi ne, %convert_element_type3A_116, %cond3A_117 : i32
      scf.if %cond3A_118 {
        %dma_wait3A_182 = arith.constant 0 : i32
        %dma_wait3A_183 = tpu.memref_slice %arg4[%mul3A_2, %add3A_99, %dma_wait3A_182] : memref<4096x200x128xf32, #tpu.memory_space<hbm>> -> memref<128x1x128xf32, #tpu.memory_space<hbm>>
        %dma_wait3A_184 = tpu.memref_squeeze %dma_wait3A_183 : memref<128x1x128xf32, #tpu.memory_space<hbm>> -> memref<128x128xf32, #tpu.memory_space<hbm>>
        %dma_wait3A_185 = arith.constant 0 : i32
        %dma_wait3A_186 = tpu.memref_slice %arg4[%mul3A_2, %add3A_99, %dma_wait3A_185] : memref<4096x200x128xf32, #tpu.memory_space<hbm>> -> memref<128x1x128xf32, #tpu.memory_space<hbm>>
        %dma_wait3A_187 = tpu.memref_squeeze %dma_wait3A_186 : memref<128x1x128xf32, #tpu.memory_space<hbm>> -> memref<128x128xf32, #tpu.memory_space<hbm>>
        tpu.wait_dma2 semaphore(%arg17 : memref<!tpu.dma_semaphore, #tpu.memory_space<semaphore_mem>>) src(%arg7 : memref<128x128xf32, #tpu.memory_space<vmem>>) dst(%dma_wait3A_187 : memref<128x128xf32, #tpu.memory_space<hbm>>)
        %add3A_188 = arith.constant 5 : i32
        %add3A_189 = arith.addi %add3A_99, %add3A_188 : i32
        %dma_start3A_190 = arith.constant 0 : i32
        %dma_start3A_191 = tpu.memref_slice %arg5[%add3A_189, %dma_start3A_190] : memref<200x128xi32, #tpu.memory_space<vmem>> -> memref<1x128xi32, #tpu.memory_space<vmem>>
        %dma_start3A_192 = tpu.memref_squeeze %dma_start3A_191 : memref<1x128xi32, #tpu.memory_space<vmem>> -> memref<128xi32, #tpu.memory_space<vmem>>
        %dma_start3A_193 = arith.constant 0 : i32
        %dma_start3A_194 = arith.constant 0 : i32
        %dma_start3A_195 = tpu.memref_slice %arg3[%dma_start3A_193, %dma_start3A_194] : memref<1000000x128xf32, #tpu.memory_space<hbm>> -> memref<1000000x128xf32, #tpu.memory_space<hbm>>
        tpu.enqueue_indirect_dma source(%dma_start3A_195 : memref<1000000x128xf32, #tpu.memory_space<hbm>>) target(%arg7 : memref<128x128xf32, #tpu.memory_space<vmem>>) offsets(%dma_start3A_192 : memref<128xi32, #tpu.memory_space<vmem>>) semaphore(%arg12 : memref<!tpu.dma_semaphore, #tpu.memory_space<semaphore_mem>>)
      } else {
      }
      %add3A_119 = arith.constant 2 : i32
      %add3A_120 = arith.addi %add3A_79, %add3A_119 : i32
      %dma_wait3A_121 = arith.constant 0 : i32
      %dma_wait3A_122 = tpu.memref_slice %arg5[%add3A_120, %dma_wait3A_121] : memref<200x128xi32, #tpu.memory_space<vmem>> -> memref<1x128xi32, #tpu.memory_space<vmem>>
      %dma_wait3A_123 = tpu.memref_squeeze %dma_wait3A_122 : memref<1x128xi32, #tpu.memory_space<vmem>> -> memref<128xi32, #tpu.memory_space<vmem>>
      %dma_wait3A_124 = arith.constant 0 : i32
      %dma_wait3A_125 = arith.constant 0 : i32
      %dma_wait3A_126 = tpu.memref_slice %arg3[%dma_wait3A_124, %dma_wait3A_125] : memref<1000000x128xf32, #tpu.memory_space<hbm>> -> memref<1000000x128xf32, #tpu.memory_space<hbm>>
      tpu.wait_indirect_dma semaphore(%arg13 : memref<!tpu.dma_semaphore, #tpu.memory_space<semaphore_mem>>) src(%dma_wait3A_126 : memref<1000000x128xf32, #tpu.memory_space<hbm>>) dst(%arg8 : memref<128x128xf32, #tpu.memory_space<vmem>>)
      %dma_start3A_127 = arith.constant 0 : i32
      %dma_start3A_128 = tpu.memref_slice %arg4[%mul3A_2, %add3A_120, %dma_start3A_127] : memref<4096x200x128xf32, #tpu.memory_space<hbm>> -> memref<128x1x128xf32, #tpu.memory_space<hbm>>
      %dma_start3A_129 = tpu.memref_squeeze %dma_start3A_128 : memref<128x1x128xf32, #tpu.memory_space<hbm>> -> memref<128x128xf32, #tpu.memory_space<hbm>>
      %dma_start3A_130 = arith.constant 0 : i32
      %dma_start3A_131 = tpu.memref_slice %arg4[%mul3A_2, %add3A_120, %dma_start3A_130] : memref<4096x200x128xf32, #tpu.memory_space<hbm>> -> memref<128x1x128xf32, #tpu.memory_space<hbm>>
      %dma_start3A_132 = tpu.memref_squeeze %dma_start3A_131 : memref<128x1x128xf32, #tpu.memory_space<hbm>> -> memref<128x128xf32, #tpu.memory_space<hbm>>
      tpu.enqueue_dma source(%arg8 : memref<128x128xf32, #tpu.memory_space<vmem>>) target(%dma_start3A_132 : memref<128x128xf32, #tpu.memory_space<hbm>>) target_semaphore(%arg18 : memref<!tpu.dma_semaphore, #tpu.memory_space<semaphore_mem>>)
      %add3A_133 = arith.constant 5 : i32
      %add3A_134 = arith.addi %add3A_120, %add3A_133 : i32
      %lt3A_135 = arith.constant 200 : i32
      %lt3A_136 = arith.cmpi slt, %add3A_134, %lt3A_135 : i32
      %convert_element_type3A_137 = arith.extui %lt3A_136 : i1 to i32
      %cond3A_138 = arith.constant 0 : i32
      %cond3A_139 = arith.cmpi ne, %convert_element_type3A_137, %cond3A_138 : i32
      scf.if %cond3A_139 {
        %dma_wait3A_182 = arith.constant 0 : i32
        %dma_wait3A_183 = tpu.memref_slice %arg4[%mul3A_2, %add3A_120, %dma_wait3A_182] : memref<4096x200x128xf32, #tpu.memory_space<hbm>> -> memref<128x1x128xf32, #tpu.memory_space<hbm>>
        %dma_wait3A_184 = tpu.memref_squeeze %dma_wait3A_183 : memref<128x1x128xf32, #tpu.memory_space<hbm>> -> memref<128x128xf32, #tpu.memory_space<hbm>>
        %dma_wait3A_185 = arith.constant 0 : i32
        %dma_wait3A_186 = tpu.memref_slice %arg4[%mul3A_2, %add3A_120, %dma_wait3A_185] : memref<4096x200x128xf32, #tpu.memory_space<hbm>> -> memref<128x1x128xf32, #tpu.memory_space<hbm>>
        %dma_wait3A_187 = tpu.memref_squeeze %dma_wait3A_186 : memref<128x1x128xf32, #tpu.memory_space<hbm>> -> memref<128x128xf32, #tpu.memory_space<hbm>>
        tpu.wait_dma2 semaphore(%arg18 : memref<!tpu.dma_semaphore, #tpu.memory_space<semaphore_mem>>) src(%arg8 : memref<128x128xf32, #tpu.memory_space<vmem>>) dst(%dma_wait3A_187 : memref<128x128xf32, #tpu.memory_space<hbm>>)
        %add3A_188 = arith.constant 5 : i32
        %add3A_189 = arith.addi %add3A_120, %add3A_188 : i32
        %dma_start3A_190 = arith.constant 0 : i32
        %dma_start3A_191 = tpu.memref_slice %arg5[%add3A_189, %dma_start3A_190] : memref<200x128xi32, #tpu.memory_space<vmem>> -> memref<1x128xi32, #tpu.memory_space<vmem>>
        %dma_start3A_192 = tpu.memref_squeeze %dma_start3A_191 : memref<1x128xi32, #tpu.memory_space<vmem>> -> memref<128xi32, #tpu.memory_space<vmem>>
        %dma_start3A_193 = arith.constant 0 : i32
        %dma_start3A_194 = arith.constant 0 : i32
        %dma_start3A_195 = tpu.memref_slice %arg3[%dma_start3A_193, %dma_start3A_194] : memref<1000000x128xf32, #tpu.memory_space<hbm>> -> memref<1000000x128xf32, #tpu.memory_space<hbm>>
        tpu.enqueue_indirect_dma source(%dma_start3A_195 : memref<1000000x128xf32, #tpu.memory_space<hbm>>) target(%arg8 : memref<128x128xf32, #tpu.memory_space<vmem>>) offsets(%dma_start3A_192 : memref<128xi32, #tpu.memory_space<vmem>>) semaphore(%arg13 : memref<!tpu.dma_semaphore, #tpu.memory_space<semaphore_mem>>)
      } else {
      }
      %add3A_140 = arith.constant 3 : i32
      %add3A_141 = arith.addi %add3A_79, %add3A_140 : i32
      %dma_wait3A_142 = arith.constant 0 : i32
      %dma_wait3A_143 = tpu.memref_slice %arg5[%add3A_141, %dma_wait3A_142] : memref<200x128xi32, #tpu.memory_space<vmem>> -> memref<1x128xi32, #tpu.memory_space<vmem>>
      %dma_wait3A_144 = tpu.memref_squeeze %dma_wait3A_143 : memref<1x128xi32, #tpu.memory_space<vmem>> -> memref<128xi32, #tpu.memory_space<vmem>>
      %dma_wait3A_145 = arith.constant 0 : i32
      %dma_wait3A_146 = arith.constant 0 : i32
      %dma_wait3A_147 = tpu.memref_slice %arg3[%dma_wait3A_145, %dma_wait3A_146] : memref<1000000x128xf32, #tpu.memory_space<hbm>> -> memref<1000000x128xf32, #tpu.memory_space<hbm>>
      tpu.wait_indirect_dma semaphore(%arg14 : memref<!tpu.dma_semaphore, #tpu.memory_space<semaphore_mem>>) src(%dma_wait3A_147 : memref<1000000x128xf32, #tpu.memory_space<hbm>>) dst(%arg9 : memref<128x128xf32, #tpu.memory_space<vmem>>)
      %dma_start3A_148 = arith.constant 0 : i32
      %dma_start3A_149 = tpu.memref_slice %arg4[%mul3A_2, %add3A_141, %dma_start3A_148] : memref<4096x200x128xf32, #tpu.memory_space<hbm>> -> memref<128x1x128xf32, #tpu.memory_space<hbm>>
      %dma_start3A_150 = tpu.memref_squeeze %dma_start3A_149 : memref<128x1x128xf32, #tpu.memory_space<hbm>> -> memref<128x128xf32, #tpu.memory_space<hbm>>
      %dma_start3A_151 = arith.constant 0 : i32
      %dma_start3A_152 = tpu.memref_slice %arg4[%mul3A_2, %add3A_141, %dma_start3A_151] : memref<4096x200x128xf32, #tpu.memory_space<hbm>> -> memref<128x1x128xf32, #tpu.memory_space<hbm>>
      %dma_start3A_153 = tpu.memref_squeeze %dma_start3A_152 : memref<128x1x128xf32, #tpu.memory_space<hbm>> -> memref<128x128xf32, #tpu.memory_space<hbm>>
      tpu.enqueue_dma source(%arg9 : memref<128x128xf32, #tpu.memory_space<vmem>>) target(%dma_start3A_153 : memref<128x128xf32, #tpu.memory_space<hbm>>) target_semaphore(%arg19 : memref<!tpu.dma_semaphore, #tpu.memory_space<semaphore_mem>>)
      %add3A_154 = arith.constant 5 : i32
      %add3A_155 = arith.addi %add3A_141, %add3A_154 : i32
      %lt3A_156 = arith.constant 200 : i32
      %lt3A_157 = arith.cmpi slt, %add3A_155, %lt3A_156 : i32
      %convert_element_type3A_158 = arith.extui %lt3A_157 : i1 to i32
      %cond3A_159 = arith.constant 0 : i32
      %cond3A_160 = arith.cmpi ne, %convert_element_type3A_158, %cond3A_159 : i32
      scf.if %cond3A_160 {
        %dma_wait3A_182 = arith.constant 0 : i32
        %dma_wait3A_183 = tpu.memref_slice %arg4[%mul3A_2, %add3A_141, %dma_wait3A_182] : memref<4096x200x128xf32, #tpu.memory_space<hbm>> -> memref<128x1x128xf32, #tpu.memory_space<hbm>>
        %dma_wait3A_184 = tpu.memref_squeeze %dma_wait3A_183 : memref<128x1x128xf32, #tpu.memory_space<hbm>> -> memref<128x128xf32, #tpu.memory_space<hbm>>
        %dma_wait3A_185 = arith.constant 0 : i32
        %dma_wait3A_186 = tpu.memref_slice %arg4[%mul3A_2, %add3A_141, %dma_wait3A_185] : memref<4096x200x128xf32, #tpu.memory_space<hbm>> -> memref<128x1x128xf32, #tpu.memory_space<hbm>>
        %dma_wait3A_187 = tpu.memref_squeeze %dma_wait3A_186 : memref<128x1x128xf32, #tpu.memory_space<hbm>> -> memref<128x128xf32, #tpu.memory_space<hbm>>
        tpu.wait_dma2 semaphore(%arg19 : memref<!tpu.dma_semaphore, #tpu.memory_space<semaphore_mem>>) src(%arg9 : memref<128x128xf32, #tpu.memory_space<vmem>>) dst(%dma_wait3A_187 : memref<128x128xf32, #tpu.memory_space<hbm>>)
        %add3A_188 = arith.constant 5 : i32
        %add3A_189 = arith.addi %add3A_141, %add3A_188 : i32
        %dma_start3A_190 = arith.constant 0 : i32
        %dma_start3A_191 = tpu.memref_slice %arg5[%add3A_189, %dma_start3A_190] : memref<200x128xi32, #tpu.memory_space<vmem>> -> memref<1x128xi32, #tpu.memory_space<vmem>>
        %dma_start3A_192 = tpu.memref_squeeze %dma_start3A_191 : memref<1x128xi32, #tpu.memory_space<vmem>> -> memref<128xi32, #tpu.memory_space<vmem>>
        %dma_start3A_193 = arith.constant 0 : i32
        %dma_start3A_194 = arith.constant 0 : i32
        %dma_start3A_195 = tpu.memref_slice %arg3[%dma_start3A_193, %dma_start3A_194] : memref<1000000x128xf32, #tpu.memory_space<hbm>> -> memref<1000000x128xf32, #tpu.memory_space<hbm>>
        tpu.enqueue_indirect_dma source(%dma_start3A_195 : memref<1000000x128xf32, #tpu.memory_space<hbm>>) target(%arg9 : memref<128x128xf32, #tpu.memory_space<vmem>>) offsets(%dma_start3A_192 : memref<128xi32, #tpu.memory_space<vmem>>) semaphore(%arg14 : memref<!tpu.dma_semaphore, #tpu.memory_space<semaphore_mem>>)
      } else {
      }
      %add3A_161 = arith.constant 4 : i32
      %add3A_162 = arith.addi %add3A_79, %add3A_161 : i32
      %dma_wait3A_163 = arith.constant 0 : i32
      %dma_wait3A_164 = tpu.memref_slice %arg5[%add3A_162, %dma_wait3A_163] : memref<200x128xi32, #tpu.memory_space<vmem>> -> memref<1x128xi32, #tpu.memory_space<vmem>>
      %dma_wait3A_165 = tpu.memref_squeeze %dma_wait3A_164 : memref<1x128xi32, #tpu.memory_space<vmem>> -> memref<128xi32, #tpu.memory_space<vmem>>
      %dma_wait3A_166 = arith.constant 0 : i32
      %dma_wait3A_167 = arith.constant 0 : i32
      %dma_wait3A_168 = tpu.memref_slice %arg3[%dma_wait3A_166, %dma_wait3A_167] : memref<1000000x128xf32, #tpu.memory_space<hbm>> -> memref<1000000x128xf32, #tpu.memory_space<hbm>>
      tpu.wait_indirect_dma semaphore(%arg15 : memref<!tpu.dma_semaphore, #tpu.memory_space<semaphore_mem>>) src(%dma_wait3A_168 : memref<1000000x128xf32, #tpu.memory_space<hbm>>) dst(%arg10 : memref<128x128xf32, #tpu.memory_space<vmem>>)
      %dma_start3A_169 = arith.constant 0 : i32
      %dma_start3A_170 = tpu.memref_slice %arg4[%mul3A_2, %add3A_162, %dma_start3A_169] : memref<4096x200x128xf32, #tpu.memory_space<hbm>> -> memref<128x1x128xf32, #tpu.memory_space<hbm>>
      %dma_start3A_171 = tpu.memref_squeeze %dma_start3A_170 : memref<128x1x128xf32, #tpu.memory_space<hbm>> -> memref<128x128xf32, #tpu.memory_space<hbm>>
      %dma_start3A_172 = arith.constant 0 : i32
      %dma_start3A_173 = tpu.memref_slice %arg4[%mul3A_2, %add3A_162, %dma_start3A_172] : memref<4096x200x128xf32, #tpu.memory_space<hbm>> -> memref<128x1x128xf32, #tpu.memory_space<hbm>>
      %dma_start3A_174 = tpu.memref_squeeze %dma_start3A_173 : memref<128x1x128xf32, #tpu.memory_space<hbm>> -> memref<128x128xf32, #tpu.memory_space<hbm>>
      tpu.enqueue_dma source(%arg10 : memref<128x128xf32, #tpu.memory_space<vmem>>) target(%dma_start3A_174 : memref<128x128xf32, #tpu.memory_space<hbm>>) target_semaphore(%arg20 : memref<!tpu.dma_semaphore, #tpu.memory_space<semaphore_mem>>)
      %add3A_175 = arith.constant 5 : i32
      %add3A_176 = arith.addi %add3A_162, %add3A_175 : i32
      %lt3A_177 = arith.constant 200 : i32
      %lt3A_178 = arith.cmpi slt, %add3A_176, %lt3A_177 : i32
      %convert_element_type3A_179 = arith.extui %lt3A_178 : i1 to i32
      %cond3A_180 = arith.constant 0 : i32
      %cond3A_181 = arith.cmpi ne, %convert_element_type3A_179, %cond3A_180 : i32
      scf.if %cond3A_181 {
        %dma_wait3A_182 = arith.constant 0 : i32
        %dma_wait3A_183 = tpu.memref_slice %arg4[%mul3A_2, %add3A_162, %dma_wait3A_182] : memref<4096x200x128xf32, #tpu.memory_space<hbm>> -> memref<128x1x128xf32, #tpu.memory_space<hbm>>
        %dma_wait3A_184 = tpu.memref_squeeze %dma_wait3A_183 : memref<128x1x128xf32, #tpu.memory_space<hbm>> -> memref<128x128xf32, #tpu.memory_space<hbm>>
        %dma_wait3A_185 = arith.constant 0 : i32
        %dma_wait3A_186 = tpu.memref_slice %arg4[%mul3A_2, %add3A_162, %dma_wait3A_185] : memref<4096x200x128xf32, #tpu.memory_space<hbm>> -> memref<128x1x128xf32, #tpu.memory_space<hbm>>
        %dma_wait3A_187 = tpu.memref_squeeze %dma_wait3A_186 : memref<128x1x128xf32, #tpu.memory_space<hbm>> -> memref<128x128xf32, #tpu.memory_space<hbm>>
        tpu.wait_dma2 semaphore(%arg20 : memref<!tpu.dma_semaphore, #tpu.memory_space<semaphore_mem>>) src(%arg10 : memref<128x128xf32, #tpu.memory_space<vmem>>) dst(%dma_wait3A_187 : memref<128x128xf32, #tpu.memory_space<hbm>>)
        %add3A_188 = arith.constant 5 : i32
        %add3A_189 = arith.addi %add3A_162, %add3A_188 : i32
        %dma_start3A_190 = arith.constant 0 : i32
        %dma_start3A_191 = tpu.memref_slice %arg5[%add3A_189, %dma_start3A_190] : memref<200x128xi32, #tpu.memory_space<vmem>> -> memref<1x128xi32, #tpu.memory_space<vmem>>
        %dma_start3A_192 = tpu.memref_squeeze %dma_start3A_191 : memref<1x128xi32, #tpu.memory_space<vmem>> -> memref<128xi32, #tpu.memory_space<vmem>>
        %dma_start3A_193 = arith.constant 0 : i32
        %dma_start3A_194 = arith.constant 0 : i32
        %dma_start3A_195 = tpu.memref_slice %arg3[%dma_start3A_193, %dma_start3A_194] : memref<1000000x128xf32, #tpu.memory_space<hbm>> -> memref<1000000x128xf32, #tpu.memory_space<hbm>>
        tpu.enqueue_indirect_dma source(%dma_start3A_195 : memref<1000000x128xf32, #tpu.memory_space<hbm>>) target(%arg10 : memref<128x128xf32, #tpu.memory_space<vmem>>) offsets(%dma_start3A_192 : memref<128xi32, #tpu.memory_space<vmem>>) semaphore(%arg15 : memref<!tpu.dma_semaphore, #tpu.memory_space<semaphore_mem>>)
      } else {
      }
    }
    %scan3A_40 = arith.constant 40 : i32
    %dma_wait3A = arith.constant 195 : i32
    %dma_wait3A_41 = arith.constant 0 : i32
    %dma_wait3A_42 = tpu.memref_slice %arg4[%mul3A_2, %dma_wait3A, %dma_wait3A_41] : memref<4096x200x128xf32, #tpu.memory_space<hbm>> -> memref<128x1x128xf32, #tpu.memory_space<hbm>>
    %dma_wait3A_43 = tpu.memref_squeeze %dma_wait3A_42 : memref<128x1x128xf32, #tpu.memory_space<hbm>> -> memref<128x128xf32, #tpu.memory_space<hbm>>
    %dma_wait3A_44 = arith.constant 0 : i32
    %dma_wait3A_45 = tpu.memref_slice %arg4[%mul3A_2, %dma_wait3A, %dma_wait3A_44] : memref<4096x200x128xf32, #tpu.memory_space<hbm>> -> memref<128x1x128xf32, #tpu.memory_space<hbm>>
    %dma_wait3A_46 = tpu.memref_squeeze %dma_wait3A_45 : memref<128x1x128xf32, #tpu.memory_space<hbm>> -> memref<128x128xf32, #tpu.memory_space<hbm>>
    tpu.wait_dma2 semaphore(%arg16 : memref<!tpu.dma_semaphore, #tpu.memory_space<semaphore_mem>>) src(%arg6 : memref<128x128xf32, #tpu.memory_space<vmem>>) dst(%dma_wait3A_46 : memref<128x128xf32, #tpu.memory_space<hbm>>)
    %dma_wait3A_47 = arith.constant 196 : i32
    %dma_wait3A_48 = arith.constant 0 : i32
    %dma_wait3A_49 = tpu.memref_slice %arg4[%mul3A_2, %dma_wait3A_47, %dma_wait3A_48] : memref<4096x200x128xf32, #tpu.memory_space<hbm>> -> memref<128x1x128xf32, #tpu.memory_space<hbm>>
    %dma_wait3A_50 = tpu.memref_squeeze %dma_wait3A_49 : memref<128x1x128xf32, #tpu.memory_space<hbm>> -> memref<128x128xf32, #tpu.memory_space<hbm>>
    %dma_wait3A_51 = arith.constant 0 : i32
    %dma_wait3A_52 = tpu.memref_slice %arg4[%mul3A_2, %dma_wait3A_47, %dma_wait3A_51] : memref<4096x200x128xf32, #tpu.memory_space<hbm>> -> memref<128x1x128xf32, #tpu.memory_space<hbm>>
    %dma_wait3A_53 = tpu.memref_squeeze %dma_wait3A_52 : memref<128x1x128xf32, #tpu.memory_space<hbm>> -> memref<128x128xf32, #tpu.memory_space<hbm>>
    tpu.wait_dma2 semaphore(%arg17 : memref<!tpu.dma_semaphore, #tpu.memory_space<semaphore_mem>>) src(%arg7 : memref<128x128xf32, #tpu.memory_space<vmem>>) dst(%dma_wait3A_53 : memref<128x128xf32, #tpu.memory_space<hbm>>)
    %dma_wait3A_54 = arith.constant 197 : i32
    %dma_wait3A_55 = arith.constant 0 : i32
    %dma_wait3A_56 = tpu.memref_slice %arg4[%mul3A_2, %dma_wait3A_54, %dma_wait3A_55] : memref<4096x200x128xf32, #tpu.memory_space<hbm>> -> memref<128x1x128xf32, #tpu.memory_space<hbm>>
    %dma_wait3A_57 = tpu.memref_squeeze %dma_wait3A_56 : memref<128x1x128xf32, #tpu.memory_space<hbm>> -> memref<128x128xf32, #tpu.memory_space<hbm>>
    %dma_wait3A_58 = arith.constant 0 : i32
    %dma_wait3A_59 = tpu.memref_slice %arg4[%mul3A_2, %dma_wait3A_54, %dma_wait3A_58] : memref<4096x200x128xf32, #tpu.memory_space<hbm>> -> memref<128x1x128xf32, #tpu.memory_space<hbm>>
    %dma_wait3A_60 = tpu.memref_squeeze %dma_wait3A_59 : memref<128x1x128xf32, #tpu.memory_space<hbm>> -> memref<128x128xf32, #tpu.memory_space<hbm>>
    tpu.wait_dma2 semaphore(%arg18 : memref<!tpu.dma_semaphore, #tpu.memory_space<semaphore_mem>>) src(%arg8 : memref<128x128xf32, #tpu.memory_space<vmem>>) dst(%dma_wait3A_60 : memref<128x128xf32, #tpu.memory_space<hbm>>)
    %dma_wait3A_61 = arith.constant 198 : i32
    %dma_wait3A_62 = arith.constant 0 : i32
    %dma_wait3A_63 = tpu.memref_slice %arg4[%mul3A_2, %dma_wait3A_61, %dma_wait3A_62] : memref<4096x200x128xf32, #tpu.memory_space<hbm>> -> memref<128x1x128xf32, #tpu.memory_space<hbm>>
    %dma_wait3A_64 = tpu.memref_squeeze %dma_wait3A_63 : memref<128x1x128xf32, #tpu.memory_space<hbm>> -> memref<128x128xf32, #tpu.memory_space<hbm>>
    %dma_wait3A_65 = arith.constant 0 : i32
    %dma_wait3A_66 = tpu.memref_slice %arg4[%mul3A_2, %dma_wait3A_61, %dma_wait3A_65] : memref<4096x200x128xf32, #tpu.memory_space<hbm>> -> memref<128x1x128xf32, #tpu.memory_space<hbm>>
    %dma_wait3A_67 = tpu.memref_squeeze %dma_wait3A_66 : memref<128x1x128xf32, #tpu.memory_space<hbm>> -> memref<128x128xf32, #tpu.memory_space<hbm>>
    tpu.wait_dma2 semaphore(%arg19 : memref<!tpu.dma_semaphore, #tpu.memory_space<semaphore_mem>>) src(%arg9 : memref<128x128xf32, #tpu.memory_space<vmem>>) dst(%dma_wait3A_67 : memref<128x128xf32, #tpu.memory_space<hbm>>)
    %dma_wait3A_68 = arith.constant 199 : i32
    %dma_wait3A_69 = arith.constant 0 : i32
    %dma_wait3A_70 = tpu.memref_slice %arg4[%mul3A_2, %dma_wait3A_68, %dma_wait3A_69] : memref<4096x200x128xf32, #tpu.memory_space<hbm>> -> memref<128x1x128xf32, #tpu.memory_space<hbm>>
    %dma_wait3A_71 = tpu.memref_squeeze %dma_wait3A_70 : memref<128x1x128xf32, #tpu.memory_space<hbm>> -> memref<128x128xf32, #tpu.memory_space<hbm>>
    %dma_wait3A_72 = arith.constant 0 : i32
    %dma_wait3A_73 = tpu.memref_slice %arg4[%mul3A_2, %dma_wait3A_68, %dma_wait3A_72] : memref<4096x200x128xf32, #tpu.memory_space<hbm>> -> memref<128x1x128xf32, #tpu.memory_space<hbm>>
    %dma_wait3A_74 = tpu.memref_squeeze %dma_wait3A_73 : memref<128x1x128xf32, #tpu.memory_space<hbm>> -> memref<128x128xf32, #tpu.memory_space<hbm>>
    tpu.wait_dma2 semaphore(%arg20 : memref<!tpu.dma_semaphore, #tpu.memory_space<semaphore_mem>>) src(%arg10 : memref<128x128xf32, #tpu.memory_space<vmem>>) dst(%dma_wait3A_74 : memref<128x128xf32, #tpu.memory_space<hbm>>)
    return
  }
}

</mosaic_0001>

<sc_bundles>
// kernel: _lookup.3.cloned.1.call-start
scs
__scs_entry_jumppad:
0x0: {  	(pc) =	sbr.rel $0x88, $3  }
0x1: {  	(tag) =	ssettag $0x0;
	lr =	simm.s32 $0x1  }
0x2: {  	[smem:$0x3F9F] =	sst lr;
	_ =	strace $0xD0000000  }
0x3: {  	_ = 	snop  }
0x4: {  	_ = 	snop  }
0x5: {  	_ = 	snop  }
0x6: {  	_ = 	snop  }
0x7: {  	_ = 	snop  }
__scs_overlays_trampoline_lowered:
0x8: {  	[smem:$0x3FAE] =	sst s0  }
0x9: {  	[smem:$0x3FAF] =	sst s1  }
0xa: {  	[smem:$0x3FB0] =	sst s2  }
0xb: {  	[smem:$0x3FB1] =	sst s3  }
0xc: {  	[smem:$0x3FB2] =	sst s4  }
0xd: {  	[smem:$0x3FB3] =	sst s5  }
0xe: {  	[smem:$0x3FB4] =	sst s6  }
0xf: {  	[smem:$0x3FB5] =	sst s7  }
0x10: {  	[smem:$0x3FB6] =	sst s8  }
0x11: {  	[smem:$0x3FB7] =	sst s9;
	s0 =	simm.s32 @!p0 $0x0  }
0x12: {  	s1 =	sld [smem:$0x3F9D];
	s0 =	simm.s32 @p0 $0x1  }
0x13: {  	[smem:$0x3FB8] =	sst s0;
	s0 =	simm.s32 @!p1 $0x0  }
0x14: {  	s2 =	sld [smem:$0x3F9C];
	s0 =	simm.s32 @p1 $0x1  }
0x15: {  	[smem:$0x3FB9] =	sst s0;
	s0 =	simm.s32 @!p2 $0x0  }
0x16: {  	s3 =	sld [smem:$0x3FDB];
	s0 =	simm.s32 @p2 $0x1  }
0x17: {  	s4 =	simm.s32 $0x1BF5;
	[smem:$0x3FBB] =	sst s0  }
0x18: {  	s0 =	sld [smem:$0x3F9E];
	_ =	swait.ge [sflag:s4], $0x0  }
0x19: {  	s7 =	sld [smem:$0x3F9F]  }
0x1a: {  	s8 =	sadd.s32 $0xFFFFE003, lr  }
0x1b: {  	s9 =	sadd.s32 $0xFFFFFEF7, lr;
	s5 =	simm.s32 $0xFFFFFFFF;
	p2 =	slt.u32 s8, $0xFFFFF086  }
0x1c: {  	p1 =	slt.u32 s9, $0xF7A;
	s5 =	simm.s32 @!p2 $0x0  }
0x1d: {  	s5 =	simm.s32 @p1 $0x1;
	p0 =	seq.s32 s7, s2  }
0x1e: {  	s7 =	smul.u32 @!p0 $0xF7A, s2;
	p2 =	seq.s32 @!p0 s5, $0x0  }
0x1f: {  	s9 =	smul.u32 $0xF7A, s1;
	s8 =	simm.s32 @!p0 $0x1BF5;
	p2 =	por !p2, p0  }
0x20: {  	[sflag:s8] =	ssyncset.s32 @!p0 $0xFFFFF086;
	s6 =	sadd.s32 @!p0 s3, s7;
	s7 =	simm.s32 @!p0 $0x108  }
0x21: {  	s3 =	sadd.s32 s3, s9;
	s6 =	sadd.s32 @!p0 $0x88, s6;
	s7 =	simm.s32 @p2 $0x1082  }
0x22: {  	[simem:s7], [sflag:s8] =	dma.local @!p0 [hbm:s6], $0xF7A  }
0x23: {  	s9 =	sor.u32 $0xD0000000, s2;
	s6 =	simm.s32 $0x108;
	_ =	swait.ge @!p0 [sflag:s8], $0x0  }
0x24: {  	s3 =	sadd.s32 $0x88, s3;
	s6 =	simm.s32 @!p1 $0x1082;
	[sflag:s4] =	ssyncset.s32 $0xFFFFF086  }
0x25: {  	[simem:s6], [sflag:s4] =	dma.local [hbm:s3], $0xF7A  }
0x26: {  	[smem:$0x3F9F] =	sst s1;
	(tag) =	ssettag s2;
	_ =	strace s9  }
0x27: {  	s1 =	sld [smem:$0x3FAF]  }
0x28: {  	s2 =	sld [smem:$0x3FB0]  }
0x29: {  	s4 =	sld [smem:$0x3FB2]  }
0x2a: {  	p0 =	seq.s32 s5, $0x0;
	s5 =	sld [smem:$0x3FB3]  }
0x2b: {  	s6 =	sld [smem:$0x3FB4]  }
0x2c: {  	s7 =	sld [smem:$0x3FB5]  }
0x2d: {  	s3 =	simm.s32 $0x108;
	s8 =	sld [smem:$0x3FB6]  }
0x2e: {  	s3 =	simm.s32 @!p0 $0x1082;
	s9 =	sld [smem:$0x3FB7]  }
0x2f: {  	lr =	sadd.s32 s0, s3;
	s0 =	sld [smem:$0x3FAE]  }
0x30: {  	s3 =	sld [smem:$0x3FB1]  }
0x31: {  	[smem:$0x3FBA] =	sst s10  }
0x32: {  	s10 =	sld [smem:$0x3FB8];
	_ =	sdelay $0x3  }
0x33: {  	p0 =	seq.s32 s10, $0x1;
	s10 =	sld [smem:$0x3FBA];
	_ =	sdelay $0x3  }
0x34: {  	[smem:$0x3FBA] =	sst s10  }
0x35: {  	s10 =	sld [smem:$0x3FB9];
	_ =	sdelay $0x3  }
0x36: {  	p1 =	seq.s32 s10, $0x1;
	s10 =	sld [smem:$0x3FBA];
	_ =	sdelay $0x3  }
0x37: {  	[smem:$0x3FBA] =	sst s10  }
0x38: {  	s10 =	sld [smem:$0x3FBB]  }
0x39: {  	_ = 	snop;
	(pc) =	sbr.ind lr, $3  }
0x3a: {  	_ = 	snop  }
0x3b: {  	_ = 	snop  }
0x3c: {  	p2 =	seq.s32 s10, $0x1;
	s10 =	sld [smem:$0x3FBA]  }
0x3d: {  	_ =	shalt  }
0x3e: {  	_ =	shalt  }
0x3f: {  	_ =	shalt  }
0x40: {  	_ =	shalt  }
0x41: {  	_ =	shalt  }
0x42: {  	_ =	shalt  }
0x43: {  	_ =	shalt  }
0x44: {  	_ =	shalt  }
0x45: {  	_ =	shalt  }
0x46: {  	_ =	shalt  }
0x47: {  	_ =	shalt  }
0x48: {  	_ =	shalt  }
0x49: {  	_ =	shalt  }
0x4a: {  	_ =	shalt  }
0x4b: {  	_ =	shalt  }
0x4c: {  	_ =	shalt  }
0x4d: {  	_ =	shalt  }
0x4e: {  	_ =	shalt  }
0x4f: {  	_ =	shalt  }
0x50: {  	_ =	shalt  }
0x51: {  	_ =	shalt  }
0x52: {  	_ =	shalt  }
0x53: {  	_ =	shalt  }
0x54: {  	_ =	shalt  }
0x55: {  	_ =	shalt  }
0x56: {  	_ =	shalt  }
0x57: {  	_ =	shalt  }
0x58: {  	_ =	shalt  }
0x59: {  	_ =	shalt  }
0x5a: {  	_ =	shalt  }
0x5b: {  	_ =	shalt  }
0x5c: {  	_ =	shalt  }
0x5d: {  	_ =	shalt  }
0x5e: {  	_ =	shalt  }
0x5f: {  	_ =	shalt  }
0x60: {  	_ =	shalt  }
0x61: {  	_ =	shalt  }
0x62: {  	_ =	shalt  }
0x63: {  	_ =	shalt  }
0x64: {  	_ =	shalt  }
0x65: {  	_ =	shalt  }
0x66: {  	_ =	shalt  }
0x67: {  	_ =	shalt  }
0x68: {  	_ =	shalt  }
0x69: {  	_ =	shalt  }
0x6a: {  	_ =	shalt  }
0x6b: {  	_ =	shalt  }
0x6c: {  	_ =	shalt  }
0x6d: {  	_ =	shalt  }
0x6e: {  	_ =	shalt  }
0x6f: {  	_ =	shalt  }
0x70: {  	_ =	shalt  }
0x71: {  	_ =	shalt  }
0x72: {  	_ =	shalt  }
0x73: {  	_ =	shalt  }
0x74: {  	_ =	shalt  }
0x75: {  	_ =	shalt  }
0x76: {  	_ =	shalt  }
0x77: {  	_ =	shalt  }
0x78: {  	_ =	shalt  }
0x79: {  	_ =	shalt  }
0x7a: {  	_ =	shalt  }
0x7b: {  	_ =	shalt  }
0x7c: {  	_ =	shalt  }
0x7d: {  	_ =	shalt  }
0x7e: {  	_ =	shalt  }
0x7f: {  	_ =	shalt  }
0x80: {  	_ =	shalt  }
0x81: {  	_ =	shalt  }
0x82: {  	_ =	shalt  }
0x83: {  	_ =	shalt  }
0x84: {  	_ =	shalt  }
0x85: {  	_ =	shalt  }
0x86: {  	_ =	shalt  }
0x87: {  	_ =	shalt  }
.Lfunc_end0:
.L_simem_size_0:
called_computation_lowered:
.L_overlay_start_0:
0x88: {  	s2 =	sld [smem:$0x3FD9]  }
0x89: {  	s3 =	sld [smem:$0x3FFE];
	_ =	sdelay $0x1  }
0x8a: {  	s1 =	srdreg.scid  }
0x8b: {  	s0 =	sand.u32 $0x1, s1  }
0x8c: {  	s18 =	sshll.u32 s0, $0xA;
	s2 =	sadd.s32 s3, s2  }
0x8d: {  	s2 =	sadd.s32 s2, s18  }
0x8e: {  	[smem:$0x3FC6] =	sst s2  }
0x8f: {  	_ = 	snop  }
0x90: {  	s2 =	sld [smem:$0x3FC9]  }
0x91: {  	s19 =	sld [smem:$0x3FC8]  }
0x92: {  	s4 =	sld [smem:$0x3FD0];
	(tm) =	ssettm $0x1  }
0x93: {  	s5 =	sld [smem:$0x3FFB];
	_ =	sdelay $0x3  }
0x94: {  	_ =	strace s5  }
0x95: {  	s5 =	sld [smem:$0x3FFC];
	_ =	sdelay $0x3  }
0x96: {  	_ =	strace s5  }
0x97: {  	s5 =	sld [smem:$0x3FFD];
	_ =	sdelay $0x3  }
0x98: {  	_ =	strace s5  }
0x99: {  	_ =	strace $0x8FFFFFFF  }
0x9a: {  	s20 =	sld [smem:$0x3FDB];
	_ =	sdelay $0x1  }
0x9b: {  	s6 =	simm.s32 $_scs_section_size  }
0x9c: {  	s7 =	simm.s32 $_size__tile_overlayer_lowered;
	s8 =	simm.s32 $_tile_overlayer_lowered  }
0x9d: {  	s23 =	simm.s32 $0x1BFF;
	s22 =	sshll.u32 s8, $0x1;
	s5 =	sadd.s32 s6, s20  }
0x9e: {  	s9 =	simm.s32 $0x0;
	s21 =	sshll.u32 s7, $0x1;
	s7 =	sadd.s32 s22, s5  }
0x9f: {  	[timem:s9], [sflag:s23] =	dma.local [hbm:s7], s21  }
0xa0: {  	_ =	swait.ge [sflag:s23], s21  }
0xa1: {  	s6 =	ssub.s32 $0x0, s21;
	[sflag:s23] =	ssyncset.done $0x0  }
0xa2: {  	[sflag:s23] =	ssyncadd.s32 s6;
	_ =	sdelay $0x1  }
0xa3: {  	s24 =	simm.s32 $0x1B8B  }
0xa4: {  	_ =	swait.ge [sflag:s24], $0x1  }
0xa5: {  	[sflag:s24] =	ssyncset.done $0x0  }
0xa6: {  	s25 =	simm.s32 $0x1B8E;
	[sflag:s24] =	ssyncadd.s32 $0xFFFFFFFF  }
0xa7: {  	s26 =	simm.s32 $execute0_lowered;
	[smem:$0x3FD2] =	sst s25  }
0xa8: {  	s6 =	sshll.u32 s26, $0x1;
	_ =	strace $0x80000046;
	[dreg:$0x1] =	wrdreg $0xFFFFFFFF  }
0xa9: {  	s28 =	simm.s32 $_size_execute0_lowered;
	s5 =	sadd.s32 s5, s6;
	[dreg:$0x0] =	wrdreg $0x0  }
0xaa: {  	s6 =	sshll.u32 s28, $0x1;
	[dreg:$0x2] =	wrdreg s5  }
0xab: {  	[dreg:$0x3] =	wrdreg s6  }
0xac: {  	[dreg:$0x4] =	wrdreg $0xC0  }
0xad: {  	_ =	task [dreg:s9], $0x5FFFF  }
0xae: {  	[dreg:$0x1] =	wrdreg $0xFFFFFFFF  }
0xaf: {  	[dreg:$0x0] =	wrdreg $0x60  }
0xb0: {  	[dreg:$0x2] =	wrdreg s2  }
0xb1: {  	[dreg:$0x3] =	wrdreg s19  }
0xb2: {  	[dreg:$0x4] =	wrdreg s4  }
0xb3: {  	[dreg:$0x5] =	wrdreg $0x9  }
0xb4: {  	_ =	task.clear_ibuf [dreg:s9], $0x6FFFF;
	_ =	strace $0x90000046  }
0xb5: {  	s29 =	simm.s32 $0x9;
	_ =	strace $0x80000048  }
0xb6: {  	_ =	swait.ge [sflag:s29], $0x1  }
0xb7: {  	[sflag:s29] =	ssyncadd.s32 $0xFFFFFFFF  }
0xb8: {  	_ =	strace $0x90000048  }
0xb9: {  	_ =	sfence  }
0xba: {  	s30 =	sld [smem:$0x0];
	_ =	sdelay $0x2  }
0xbb: {  	s31 =	sshll.u32 s1, $0xD;
	s1 =	sshrl.u32 s1, $0x2  }
0xbc: {  	s3 =	sand.u32 $0x4000, s31;
	s1 =	sadd.s32 s1, s30  }
0xbd: {  	s0 =	sor.u32 s3, s0;
	s1 =	sshll.u32 s1, $0x11  }
0xbe: {  	s0 =	sor.u32 s1, s0  }
0xbf: {  	s0 =	sadd.s32 $0x8F2B, s0  }
0xc0: {  	[sflag:s0] =	ssyncadd.remote.s32 $0x1  }
0xc1: {  	_ =	sfence.sel $0xFFFF  }
0xc2: {  	[dreg:$0x0] =	wrdreg $0xFFFFFFFF;
	(pc) =	sbr.abs _section_cstart, $3  }
0xc3: {  	[dreg:$0x1] =	wrdreg $0xFFFFFFFF  }
0xc4: {  	_ =	task.clear_ibuf [dreg:s9], $0x2FFFF;
	_ =	strace $0x9FFFFFFF  }
0xc5: {  	(tm) =	ssettm $0x7FFFFFFF  }
tec
execute0_lowered:
.L_overlay_start_1:
0x0: {  	(tag) =	ssettag $0x1  }
0x1: {  	s0 =	rddreg [dreg:$0x0]  }
0x2: {  	s1 =	srdreg.scid;
	s2 =	rddreg [dreg:$0x1]  }
0x3: {  	s7 =	stileid.u32;
	s8 =	rddreg [dreg:$0x2];
	s18 =	simm.s32 $0x0  }
0x4: {  	s15 =	simm.s32 $0xB;
	s16 =	simm.s32 $0x80;
	s17 =	simm.s32 $0x6400  }
0x5: {  	s28 =	simm.s32 $0x5;
	s29 =	simm.s32 $0x6;
	s30 =	simm.s32 $0x7  }
0x6: {  	s31 =	simm.s32 $0x8;
	s13 =	simm.s32 $0x0;
	s1 =	sand.u32 $0x1, s1  }
0x7: {  	s3 =	sshll.u32 s7, $0x1;
	s7 =	smul.u32 $0x640000, s7;
	[smem:$0x7FF] =	sst s18  }
0x8: {  	s4 =	sor.u32 s1, s3;
	s6 =	ssub.s32 $0x2, s1;
	s1 =	smul.u32 $0x320000, s1  }
0x9: {  	s5 =	smul.u32 $0x320000, s4;
	s9 =	sshrl.u32 s6, $0x1;
	s4 =	sshll.u32 s4, $0x7  }
0xa: {  	_ =	strace $0x80000047;
	s6 =	ssub.s32 s6, s9;
	s0 =	sadd.s32 s0, s4  }
0xb: {  	s1 =	sadd.s32 s1, s7;
	[dreg:$0x4] =	wrdreg s0;
	s19 =	sshrl.u32 s5, $0x3  }
0xc: {  	s20 =	smax.u32 s6, $0x1;
	s7 =	sor.u32 $0x200, s1;
	s10 =	sor.u32 $0x180, s1  }
0xd: {  	s24 =	sor.u32 $0x100, s1;
	s25 =	sor.u32 $0x80, s1;
	s1 =	sshrl.u32 s1, $0x3  }
0xe: {  	[dreg:$0x5] =	wrdreg s20;
	s0 =	sadd.s32 s19, s8;
	s21 =	sshrl.u32 s7, $0x3  }
0xf: {  	s23 =	sshrl.u32 s10, $0x3;
	s9 =	sshrl.u32 s25, $0x3;
	s14 =	sadd.s32 s1, s8  }
0x10: {  	s20 =	simm.s32 $0xE400;
	s25 =	simm.s32 $0x1;
	s1 =	simm.s32 $0x9  }
.Ltmp0:
0x11: {  	s6 =	sadd.s32 $0xC40, s0;
	s22 =	sadd.s32 s21, s8;
	(pc) =	sbr.rel .LBB2_1-.Ltmp0, $4  }
0x12: {  	s7 =	sadd.s32 $0xC60, s0;
	s0 =	sadd.s32 s23, s8;
	[dreg:$0x6] =	wrdreg s22  }
0x13: {  	s26 =	sadd.s32 s9, s8;
	[dreg:$0x7] =	wrdreg s0;
	s0 =	sshrl.u32 s24, $0x3  }
0x14: {  	[dreg:$0x9] =	wrdreg s26;
	s24 =	simm.s32 $0x16400;
	s0 =	sadd.s32 s0, s8  }
0x15: {  	s26 =	simm.s32 $0x3;
	[dreg:$0x8] =	wrdreg s0;
	s0 =	simm.s32 $0xA  }
.LBB2_4:
0x16: {  	_ =	swait.ge [sflag:s29], $0x4000  }
0x17: {  	[sflag:s29] =	ssyncset.done $0x0  }
0x18: {  	[sflag:s29] =	ssyncadd.s32 $0xFFFFC000  }
0x19: {  	_ =	swait.ge [sflag:s30], $0x4000  }
0x1a: {  	[sflag:s30] =	ssyncset.done $0x0  }
0x1b: {  	[sflag:s30] =	ssyncadd.s32 $0xFFFFC000  }
0x1c: {  	_ =	swait.ge [sflag:s31], $0x4000  }
0x1d: {  	[sflag:s31] =	ssyncset.done $0x0  }
0x1e: {  	[sflag:s31] =	ssyncadd.s32 $0xFFFFC000  }
0x1f: {  	_ =	swait.ge [sflag:s1], $0x4000  }
0x20: {  	[sflag:s1] =	ssyncset.done $0x0  }
0x21: {  	[sflag:s1] =	ssyncadd.s32 $0xFFFFC000  }
0x22: {  	_ =	swait.ge [sflag:s0], $0x4000  }
0x23: {  	s13 =	sadd.s32 $0x1, s13;
	s3 =	rddreg [dreg:$0x5]  }
0x24: {  	p0 =	sne.s32 s13, s3  }
.Ltmp1:
0x25: {  	_ = 	snop;
	(pc) =	sbr.rel @!p0 .LBB2_5-.Ltmp1, $3  }
0x26: {  	_ =	sdelay $0x1  }
0x27: {  	[sflag:s0] =	ssyncset.done $0x0  }
0x28: {  	[sflag:s0] =	ssyncadd.s32 $0xFFFFC000  }
.LBB2_1:
0x29: {  	s3 =	simm.s32 $0x0  }
0x2a: {  	s4 =	rddreg [dreg:$0x4];
	s5 =	simm.s32 $0x400;
	s8 =	simm.s32 $0x8000  }
0x2b: {  	[tilespmem:s3], [sflag:$0xB] =	stream.strided.gather [hbm4b:s4+s5], $0x6400, s8, s5, $0x38;
	[tilespmem:$0x1A400] =	vst v63  }
0x2c: {  	_ =	swait.ge [sflag:s15], $0x6400  }
0x2d: {  	[sflag:s15] =	ssyncset.done $0x0  }
0x2e: {  	[sflag:s15] =	ssyncadd.s32 $0xFFFF9C00  }
0x2f: {  	[tilespmem:s17], [sflag:$0x1] =	stream.indirect.gather [hbm4b:s2+s16], $0x80, s3, s16, $0xb8;
	[tilespmem:$0x1A400] =	vst v63  }
0x30: {  	s18 =	simm.s32 $0xA400  }
0x31: {  	[tilespmem:s18], [sflag:$0x2] =	stream.indirect.gather [hbm4b:s2+s16], $0x80, s16, s16, $0xb8;
	[tilespmem:$0x1A400] =	vst v63  }
0x32: {  	s19 =	simm.s32 $0x100;
	s11 =	rddreg [dreg:$0x9]  }
0x33: {  	[tilespmem:s20], [sflag:$0x3] =	stream.indirect.gather [hbm4b:s2+s16], $0x80, s19, s16, $0xb8;
	[tilespmem:$0x1A400] =	vst v63  }
0x34: {  	s21 =	simm.s32 $0x180;
	s22 =	simm.s32 $0x12400;
	s10 =	rddreg [dreg:$0x8]  }
0x35: {  	[tilespmem:s22], [sflag:$0x4] =	stream.indirect.gather [hbm4b:s2+s16], $0x80, s21, s16, $0xb8;
	[tilespmem:$0x1A400] =	vst v63  }
0x36: {  	s23 =	simm.s32 $0x200;
	s9 =	rddreg [dreg:$0x7]  }
0x37: {  	[tilespmem:s24], [sflag:$0x5] =	stream.indirect.gather [hbm4b:s2+s16], $0x80, s23, s16, $0xb8;
	[tilespmem:$0x1A400] =	vst v63  }
0x38: {  	s12 =	smov.u32 s14;
	s8 =	rddreg [dreg:$0x6];
	s23 =	simm.s32 $0x0  }
.LBB2_2:
0x39: {  	_ =	swait.ge [sflag:s25], $0x4000  }
0x3a: {  	p0 =	seq.s32 s23, $0x18600;
	[sflag:s25] =	ssyncset.done $0x0  }
0x3b: {  	s3 =	simm.s32 @p0 $0x2;
	[sflag:s25] =	ssyncadd.s32 $0xFFFFC000  }
0x3c: {  	[hbm4b:s12+s16] =	stream.strided.scatter [tilespmem:s17], [sflag:$0x6], $0x4000, s17, s16, $0x38;
	[tilespmem:$0x1A400] =	vst v63  }
0x3d: {  	_ =	swait.ge @p0 [sflag:s3], $0x4000  }
0x3e: {  	s4 =	simm.s32 @p0 $0x6400;
	[sflag:s3] =	ssyncset.done @p0 $0x0  }
0x3f: {  	s5 =	simm.s32 @p0 $0xA400;
	[sflag:s3] =	ssyncadd.s32 @p0 $0xFFFFC000;
	s3 =	simm.s32 @p0 $0x80  }
0x40: {  	[hbm4b:s6+s3] =	stream.strided.scatter @p0 [tilespmem:s5], [sflag:$0x7], $0x4000, s4, s3, $0x38;
	[tilespmem:$0x1A400] =	vst v63  }
0x41: {  	s5 =	simm.s32 @!p0 $0x6  }
0x42: {  	_ =	swait.ge @!p0 [sflag:s5], $0x4000  }
0x43: {  	[sflag:s5] =	ssyncset.done @!p0 $0x0  }
0x44: {  	[sflag:s5] =	ssyncadd.s32 @!p0 $0xFFFFC000;
	s5 =	sshra.s32 @!p0 s23, $0x2  }
0x45: {  	s21 =	simm.s32 @!p0 $0x80;
	s19 =	simm.s32 @!p0 $0x6400;
	s22 =	sadd.s32 @!p0 $0x280, s5  }
0x46: {  	[tilespmem:s19], [sflag:$0x1] =	stream.indirect.gather @!p0 [hbm4b:s2+s21], $0x80, s22, s21, $0xb8;
	[tilespmem:$0x1A400] =	vst v63  }
0x47: {  	s22 =	simm.s32 @!p0 $0x2  }
0x48: {  	_ =	swait.ge @!p0 [sflag:s22], $0x4000  }
0x49: {  	[sflag:s22] =	ssyncset.done @!p0 $0x0  }
0x4a: {  	s18 =	simm.s32 @!p0 $0x7;
	[sflag:s22] =	ssyncadd.s32 @!p0 $0xFFFFC000;
	s22 =	simm.s32 @!p0 $0xA400  }
0x4b: {  	[hbm4b:s11+s21] =	stream.strided.scatter @!p0 [tilespmem:s22], [sflag:$0x7], $0x4000, s19, s21, $0x38;
	[tilespmem:$0x1A400] =	vst v63  }
0x4c: {  	_ =	swait.ge @!p0 [sflag:s18], $0x4000  }
0x4d: {  	[sflag:s18] =	ssyncset.done @!p0 $0x0  }
0x4e: {  	[sflag:s18] =	ssyncadd.s32 @!p0 $0xFFFFC000;
	s18 =	sadd.s32 @!p0 $0x300, s5  }
0x4f: {  	[tilespmem:s22], [sflag:$0x2] =	stream.indirect.gather @!p0 [hbm4b:s2+s21], $0x80, s18, s21, $0xb8;
	[tilespmem:$0x1A400] =	vst v63  }
0x50: {  	_ =	swait.ge [sflag:s26], $0x4000  }
0x51: {  	[sflag:s26] =	ssyncset.done $0x0  }
0x52: {  	s18 =	simm.s32 @p0 $0x4;
	[sflag:s26] =	ssyncadd.s32 $0xFFFFC000  }
0x53: {  	[hbm4b:s10+s16] =	stream.strided.scatter [tilespmem:s20], [sflag:$0x8], $0x4000, s17, s16, $0x38;
	[tilespmem:$0x1A400] =	vst v63  }
0x54: {  	_ =	swait.ge @p0 [sflag:s18], $0x4000  }
0x55: {  	[sflag:s18] =	ssyncset.done @p0 $0x0  }
0x56: {  	[sflag:s18] =	ssyncadd.s32 @p0 $0xFFFFC000;
	s18 =	simm.s32 @p0 $0x12400  }
0x57: {  	[hbm4b:s7+s3] =	stream.strided.scatter @p0 [tilespmem:s18], [sflag:$0x9], $0x4000, s4, s3, $0x38;
	[tilespmem:$0x1A400] =	vst v63  }
0x58: {  	s3 =	simm.s32 @!p0 $0x8  }
0x59: {  	_ =	swait.ge @!p0 [sflag:s3], $0x4000  }
0x5a: {  	[sflag:s3] =	ssyncset.done @!p0 $0x0  }
0x5b: {  	s4 =	simm.s32 @!p0 $0xE400;
	[sflag:s3] =	ssyncadd.s32 @!p0 $0xFFFFC000;
	s3 =	sadd.s32 @!p0 $0x380, s5  }
0x5c: {  	[tilespmem:s4], [sflag:$0x3] =	stream.indirect.gather @!p0 [hbm4b:s2+s21], $0x80, s3, s21, $0xb8;
	[tilespmem:$0x1A400] =	vst v63  }
0x5d: {  	s3 =	simm.s32 @!p0 $0x4  }
0x5e: {  	_ =	swait.ge @!p0 [sflag:s3], $0x4000  }
0x5f: {  	[sflag:s3] =	ssyncset.done @!p0 $0x0  }
0x60: {  	s4 =	simm.s32 @!p0 $0x9;
	[sflag:s3] =	ssyncadd.s32 @!p0 $0xFFFFC000;
	s3 =	simm.s32 @!p0 $0x12400  }
0x61: {  	[hbm4b:s9+s21] =	stream.strided.scatter @!p0 [tilespmem:s3], [sflag:$0x9], $0x4000, s19, s21, $0x38;
	[tilespmem:$0x1A400] =	vst v63  }
0x62: {  	_ =	swait.ge @!p0 [sflag:s4], $0x4000  }
0x63: {  	[sflag:s4] =	ssyncset.done @!p0 $0x0  }
0x64: {  	[sflag:s4] =	ssyncadd.s32 @!p0 $0xFFFFC000;
	s4 =	sadd.s32 @!p0 $0x400, s5  }
0x65: {  	[tilespmem:s3], [sflag:$0x4] =	stream.indirect.gather @!p0 [hbm4b:s2+s21], $0x80, s4, s21, $0xb8;
	[tilespmem:$0x1A400] =	vst v63  }
.Ltmp2:
0x66: {  	_ = 	snop;
	(pc) =	sbr.rel @p0 .LBB2_4-.Ltmp2, $4  }
0x67: {  	_ =	swait.ge [sflag:s28], $0x4000  }
0x68: {  	[sflag:s28] =	ssyncset.done $0x0  }
0x69: {  	[sflag:s28] =	ssyncadd.s32 $0xFFFFC000  }
0x6a: {  	[hbm4b:s8+s16] =	stream.strided.scatter [tilespmem:s24], [sflag:$0xA], $0x4000, s17, s16, $0x38;
	[tilespmem:$0x1A400] =	vst v63  }
.Ltmp3:
0x6b: {  	_ =	swait.ge [sflag:s0], $0x4000;
	s3 =	sshra.s32 s23, $0x2;
	(pc) =	sbr.rel .LBB2_2-.Ltmp3, $4  }
0x6c: {  	s23 =	sadd.s32 $0xA00, s23;
	s8 =	sadd.s32 $0x50, s8;
	s9 =	sadd.s32 $0x50, s9  }
0x6d: {  	s10 =	sadd.s32 $0x50, s10;
	s11 =	sadd.s32 $0x50, s11;
	[sflag:s0] =	ssyncset.done $0x0  }
0x6e: {  	s12 =	sadd.s32 $0x50, s12;
	s3 =	sadd.s32 $0x480, s3;
	[sflag:s0] =	ssyncadd.s32 $0xFFFFC000  }
0x6f: {  	[tilespmem:s24], [sflag:$0x5] =	stream.indirect.gather [hbm4b:s2+s16], $0x80, s3, s16, $0xb8;
	[tilespmem:$0x1A400] =	vst v63  }
.LBB2_5:
0x70: {  	_ =	sfence.sel $0x180000  }
0x71: {  	[bflag:$0x0] =	sbarrier.arrive $0xFFFF  }
0x72: {  	_ =	strace $0x90000047  }
0x73: {  	s0 =	stileid.u32;
	[bflag:$0x2] =	sbarrier.arrive $0xFFFF  }
0x74: {  	p0 =	sne.s32 s0, $0x0;
	s0 =	rddreg [dreg:$0x3]  }
0x75: {  	s0 =	sadd.s32 @!p0 $0x100000, s0  }
0x76: {  	[sflag:s0] =	ssyncadd.tile.s32 @!p0 $0x1;
	_ =	shalt  }
.Lfunc_end2:
_tile_overlayer_lowered:
.L_overlay_start_2:
0x77: {  	(tag) =	ssettag $0x2  }
0x78: {  	s0 =	rddreg [dreg:$0x0];
	s2 =	stileid.u32  }
0x79: {  	s1 =	rddreg [dreg:$0x1];
	p0 =	sne.s32 s2, $0x0  }
0x7a: {  	s3 =	rddreg [dreg:$0x2];
	[bflag:$0x3] =	sbarrier.arrive $0xFFFF;
	s2 =	simm.s32 @!p0 $0x1C0B  }
0x7b: {  	[timem:s3], [sflag:s2] =	dma.local @!p0 [hbm:s0], s1  }
0x7c: {  	s0 =	simm.s32 @!p0 $0xB  }
0x7d: {  	_ =	swait.ge @!p0 [sflag:s0], s1  }
0x7e: {  	s1 =	ssub.s32 @!p0 $0x0, s1;
	[sflag:s0] =	ssyncset.done @!p0 $0x0  }
0x7f: {  	[sflag:s0] =	ssyncadd.s32 @!p0 s1  }
0x80: {  	[bflag:$0x3] =	sbarrier.arrive $0xFFFF  }
0x81: {  	_ =	shalt  }

</sc_bundles>
